<compile_context>
chip_gen: v7x
topology: tpu7x:2x2x1
jax: 0.10.2.dev20260603
libtpu: 0.0.44.dev20260713+nightly
codegen_flags: <defaults>
</compile_context>

<pallas_src>
import functools

import jax
import jax.numpy as jnp
from jax import lax
from jax.experimental import pallas as pl
from jax.experimental.pallas import tpu as pltpu
from jax.experimental.pallas import tpu_sc as plsc

_B, _P, _E, _V, _NT = 1024, 20, 64, 100, 33
_N = _B * _P
_NR = _N * _NT
_NW = 32
_BPW = _NR // _NW
_CH = 128
_EP = 128
_NCH = _BPW // _CH
_RB = 640
_H = 256


def _sc_gather_make():
    mesh = plsc.VectorSubcoreMesh(core_axis_name="c", subcore_axis_name="s")

    @functools.partial(
        pl.kernel,
        mesh=mesh,
        out_type=jax.ShapeDtypeStruct((_NR, _EP), jnp.float32),
        scratch_types=[
            pltpu.VMEM((_BPW,), jnp.int32),
            pltpu.VMEM((_CH, _EP), jnp.float32),
            pltpu.SemaphoreType.DMA,
        ],
    )
    def sc_gather(tbl_hbm, idx_hbm, out_hbm, idx_v, rows_v, sem):
        wid = lax.axis_index("s") * 2 + lax.axis_index("c")
        base = wid * _BPW
        pltpu.sync_copy(idx_hbm.at[pl.ds(base, _BPW)], idx_v)

        @pl.loop(0, _NCH)
        def _(i):
            pltpu.async_copy(
                tbl_hbm.at[idx_v.at[pl.ds(i * _CH, _CH)]], rows_v, sem
            ).wait()
            pltpu.sync_copy(rows_v, out_hbm.at[pl.ds(base + i * _CH, _CH)])

    return sc_gather


def _ffn_kernel(emb_ref, xd_ref, w1_ref, b1_ref, w2_ref, o_ref):
    lane = lax.broadcasted_iota(jnp.int32, (_RB, 2 * _E), 1)
    d01 = jnp.where(lane < _E, xd_ref[:, 0:1], xd_ref[:, 1:2]).astype(jnp.bfloat16)
    cat = jnp.concatenate([d01, emb_ref[...].astype(jnp.bfloat16)], axis=1)
    acc = jax.lax.dot(cat, w1_ref[...],
                      precision=jax.lax.Precision.DEFAULT,
                      preferred_element_type=jnp.float32)
    h = jnp.maximum(acc + b1_ref[...], 0.0)
    o_ref[...] = jax.lax.dot(h.astype(jnp.bfloat16), w2_ref[...],
                             precision=jax.lax.Precision.DEFAULT,
                             preferred_element_type=jnp.float32)


def _softmax_kernel(l_ref, o_ref):
    l = l_ref[...]
    m = jnp.max(l, axis=1, keepdims=True)
    e = jnp.exp(l - m)
    o_ref[...] = e / jnp.sum(e, axis=1, keepdims=True)


def kernel(x, tables, W1, b1, W2, b2):
    idx = x[:, :, 2:].astype(jnp.int32).reshape(_N, _NT)
    fidx = (idx + jnp.arange(_NT, dtype=jnp.int32)[None, :] * _V).reshape(_NR)
    xd = x[:, :, :2].reshape(_N, 2)
    tbl2d = jnp.pad(tables.reshape(_NT * _V, _E), ((0, 0), (0, _EP - _E)))

    gathered = _sc_gather_make()(tbl2d, fidx)
    emb2d = gathered.reshape(_N, _NT * _EP)

    w1t = W1.T
    w1f = jnp.pad(w1t[2 * _E :].reshape(_NT, _E, _H),
                  ((0, 0), (0, _EP - _E), (0, 0))).reshape(_NT * _EP, _H)
    w1bf = jnp.concatenate([w1t[: 2 * _E], w1f]).astype(jnp.bfloat16)
    w2bf = W2.T.astype(jnp.bfloat16)

    logits = pl.pallas_call(
        _ffn_kernel,
        grid=(_N // _RB,),
        in_specs=[
            pl.BlockSpec((_RB, _NT * _EP), lambda i: (i, 0)),
            pl.BlockSpec((_RB, 2), lambda i: (i, 0)),
            pl.BlockSpec((2 * _E + _NT * _EP, _H), lambda i: (0, 0)),
            pl.BlockSpec((1, _H), lambda i: (0, 0)),
            pl.BlockSpec((_H, 1), lambda i: (0, 0)),
        ],
        out_specs=pl.BlockSpec((_RB, 1), lambda i: (i, 0)),
        out_shape=jax.ShapeDtypeStruct((_N, 1), jnp.float32),
    )(emb2d, xd, w1bf, b1.reshape(1, _H), w2bf)

    out = pl.pallas_call(
        _softmax_kernel,
        out_shape=jax.ShapeDtypeStruct((_B, _P), jnp.float32),
    )(logits.reshape(_B, _P))

    return out.reshape(_B, _P, 1)

# --- scband reference (transcript-rebuilt; emitter-appended) ---
"""Pipeline reference for scband-tiny-embed-ffnn-2327872274769 (READ-ONLY COPY).

The authoritative reference and input builder live on the scoring server;
editing this copy changes nothing except your own understanding.
"""

import jax, jax.numpy as jnp
import numpy as np

B, P, E, V, NT = 1024, 20, 64, 100, 33

def setup_inputs(seed: int = 0) -> dict:
    key = jax.random.key(seed)
    ks = jax.random.split(key, 6)
    # x holds float values; columns 0,1 are dense floats, columns 2..34 are integer ids stored as float
    x = jax.random.randint(ks[0], (B, P, 35), 0, V).astype(jnp.float32)
    tables = jax.random.normal(ks[1], (NT, V, E), dtype=jnp.float32) * 0.02
    W1 = jax.random.normal(ks[2], (256, 35 * E), dtype=jnp.float32) * 0.02
    b1 = jnp.zeros((256,), dtype=jnp.float32)
    W2 = jax.random.normal(ks[3], (1, 256), dtype=jnp.float32) * 0.05
    b2 = jnp.zeros((1,), dtype=jnp.float32)
    return {"x": x, "tables": tables, "W1": W1, "b1": b1, "W2": W2, "b2": b2}

def reference(x, tables, W1, b1, W2, b2):
    # columns 2..34 -> embedding lookups into 33 tables
    idx = x[:, :, 2:35].astype(jnp.int32)                      # [B, P, 33]
    emb = tables[jnp.arange(NT), idx]                          # [B, P, 33, E] gather
    # columns 0,1 -> repeated to embedding_size (torch .repeat(1,1,E))
    dense = jnp.repeat(x[:, :, :2][..., None], E, axis=3)      # [B, P, 2, E]
    cat = jnp.concatenate([dense, emb], axis=2).reshape(B, P, 35 * E)
    h = jnp.maximum(jnp.einsum('bpd,hd->bph', cat, W1) + b1, 0.0)
    out = jnp.einsum('bph,oh->bpo', h, W2) + b2                # [B, P, 1]
    return jax.nn.softmax(out, axis=1)

if __name__ == "__main__":
    import jax
    _d = setup_inputs()
    print(jax.jit(kernel)(*tuple(_d.values())))

</pallas_src>

<mosaic_0001>
#map = affine_map<(d0, d1) -> (0, 0)>
#map1 = affine_map<(d0, d1) -> (0)>
module attributes {stable_mosaic.version = 14 : i64} {
  func.func @sc_gather(%arg0: i32, %arg1: i32, %arg2: memref<3300x128xf32, #tpu.memory_space<hbm>>, %arg3: memref<675840xi32, #tpu.memory_space<hbm>>, %arg4: memref<675840x128xf32, #tpu.memory_space<hbm>>, %arg5: memref<21120xi32, #tpu.memory_space<vmem>>, %arg6: memref<128x128xf32, #tpu.memory_space<vmem>>, %arg7: memref<!tpu.dma_semaphore, #tpu.memory_space<semaphore_mem>>) attributes {dimension_semantics = [#tpu.dimension_semantics<core_parallel>, #tpu.dimension_semantics<subcore_parallel>], iteration_bounds = array<i64: 2, 16>, scalar_prefetch = 0 : i64, scratch_operands = 3 : i64, tpu.core_type = #tpu.core_type<sc_vector_subcore>, window_params = [{transform_indices = #map}, {transform_indices = #map1}, {transform_indices = #map}]} {
    %mul3A = arith.constant 2 : i32
    %mul3A_0 = arith.muli %arg1, %mul3A : i32
    %add3A = arith.addi %mul3A_0, %arg0 : i32
    %mul3A_1 = arith.constant 21120 : i32
    %mul3A_2 = arith.muli %add3A, %mul3A_1 : i32
    "tpu.region"() ({
      %run_scoped3A = tpu.sem_alloc : memref<!tpu.dma_semaphore, #tpu.memory_space<semaphore_mem>>
      %dma_start3A = tpu.memref_slice %arg3[%mul3A_2] : memref<675840xi32, #tpu.memory_space<hbm>> -> memref<21120xi32, #tpu.memory_space<hbm>>
      %dma_start3A_7 = tpu.memref_slice %arg3[%mul3A_2] : memref<675840xi32, #tpu.memory_space<hbm>> -> memref<21120xi32, #tpu.memory_space<hbm>>
      tpu.enqueue_dma source(%dma_start3A_7 : memref<21120xi32, #tpu.memory_space<hbm>>) target(%arg5 : memref<21120xi32, #tpu.memory_space<vmem>>) target_semaphore(%run_scoped3A : memref<!tpu.dma_semaphore, #tpu.memory_space<semaphore_mem>>)
      %dma_wait3A = tpu.memref_slice %arg3[%mul3A_2] : memref<675840xi32, #tpu.memory_space<hbm>> -> memref<21120xi32, #tpu.memory_space<hbm>>
      %dma_wait3A_8 = tpu.memref_slice %arg3[%mul3A_2] : memref<675840xi32, #tpu.memory_space<hbm>> -> memref<21120xi32, #tpu.memory_space<hbm>>
      tpu.wait_dma2 semaphore(%run_scoped3A : memref<!tpu.dma_semaphore, #tpu.memory_space<semaphore_mem>>) src(%dma_wait3A_8 : memref<21120xi32, #tpu.memory_space<hbm>>) dst(%arg5 : memref<21120xi32, #tpu.memory_space<vmem>>)
      tpu.yield
    }) : () -> ()
    %scan3A = arith.constant 0 : i32
    %scan3A_3 = arith.constant 165 : i32
    %scan3A_4 = arith.addi %scan3A, %scan3A_3 : i32
    %scan3A_5 = arith.constant 1 : i32
    scf.for %scan3A_7 = %scan3A to %scan3A_4 step %scan3A_5  : i32 {
      %mul3A_8 = arith.constant 1 : i32
      %mul3A_9 = arith.muli %scan3A_7, %mul3A_8 : i32
      %add3A_10 = arith.constant 0 : i32
      %add3A_11 = arith.addi %add3A_10, %mul3A_9 : i32
      %mul3A_12 = arith.constant 128 : i32
      %mul3A_13 = arith.muli %add3A_11, %mul3A_12 : i32
      %dma_start3A = tpu.memref_slice %arg5[%mul3A_13] : memref<21120xi32, #tpu.memory_space<vmem>> -> memref<128xi32, #tpu.memory_space<vmem>>
      %dma_start3A_14 = arith.constant 0 : i32
      %dma_start3A_15 = arith.constant 0 : i32
      %dma_start3A_16 = tpu.memref_slice %arg2[%dma_start3A_14, %dma_start3A_15] : memref<3300x128xf32, #tpu.memory_space<hbm>> -> memref<3300x128xf32, #tpu.memory_space<hbm>>
      tpu.enqueue_indirect_dma source(%dma_start3A_16 : memref<3300x128xf32, #tpu.memory_space<hbm>>) target(%arg6 : memref<128x128xf32, #tpu.memory_space<vmem>>) offsets(%dma_start3A : memref<128xi32, #tpu.memory_space<vmem>>) semaphore(%arg7 : memref<!tpu.dma_semaphore, #tpu.memory_space<semaphore_mem>>)
      %dma_wait3A = tpu.memref_slice %arg5[%mul3A_13] : memref<21120xi32, #tpu.memory_space<vmem>> -> memref<128xi32, #tpu.memory_space<vmem>>
      %dma_wait3A_17 = arith.constant 0 : i32
      %dma_wait3A_18 = arith.constant 0 : i32
      %dma_wait3A_19 = tpu.memref_slice %arg2[%dma_wait3A_17, %dma_wait3A_18] : memref<3300x128xf32, #tpu.memory_space<hbm>> -> memref<3300x128xf32, #tpu.memory_space<hbm>>
      tpu.wait_indirect_dma semaphore(%arg7 : memref<!tpu.dma_semaphore, #tpu.memory_space<semaphore_mem>>) src(%dma_wait3A_19 : memref<3300x128xf32, #tpu.memory_space<hbm>>) dst(%arg6 : memref<128x128xf32, #tpu.memory_space<vmem>>)
      %mul3A_20 = arith.constant 128 : i32
      %mul3A_21 = arith.muli %add3A_11, %mul3A_20 : i32
      %add3A_22 = arith.addi %mul3A_2, %mul3A_21 : i32
      "tpu.region"() ({
        %run_scoped3A = tpu.sem_alloc : memref<!tpu.dma_semaphore, #tpu.memory_space<semaphore_mem>>
        %dma_start3A_23 = arith.constant 0 : i32
        %dma_start3A_24 = tpu.memref_slice %arg4[%add3A_22, %dma_start3A_23] : memref<675840x128xf32, #tpu.memory_space<hbm>> -> memref<128x128xf32, #tpu.memory_space<hbm>>
        %dma_start3A_25 = arith.constant 0 : i32
        %dma_start3A_26 = tpu.memref_slice %arg4[%add3A_22, %dma_start3A_25] : memref<675840x128xf32, #tpu.memory_space<hbm>> -> memref<128x128xf32, #tpu.memory_space<hbm>>
        tpu.enqueue_dma source(%arg6 : memref<128x128xf32, #tpu.memory_space<vmem>>) target(%dma_start3A_26 : memref<128x128xf32, #tpu.memory_space<hbm>>) target_semaphore(%run_scoped3A : memref<!tpu.dma_semaphore, #tpu.memory_space<semaphore_mem>>)
        %dma_wait3A_27 = arith.constant 0 : i32
        %dma_wait3A_28 = tpu.memref_slice %arg4[%add3A_22, %dma_wait3A_27] : memref<675840x128xf32, #tpu.memory_space<hbm>> -> memref<128x128xf32, #tpu.memory_space<hbm>>
        %dma_wait3A_29 = arith.constant 0 : i32
        %dma_wait3A_30 = tpu.memref_slice %arg4[%add3A_22, %dma_wait3A_29] : memref<675840x128xf32, #tpu.memory_space<hbm>> -> memref<128x128xf32, #tpu.memory_space<hbm>>
        tpu.wait_dma2 semaphore(%run_scoped3A : memref<!tpu.dma_semaphore, #tpu.memory_space<semaphore_mem>>) src(%arg6 : memref<128x128xf32, #tpu.memory_space<vmem>>) dst(%dma_wait3A_30 : memref<128x128xf32, #tpu.memory_space<hbm>>)
        tpu.yield
      }) : () -> ()
    }
    %scan3A_6 = arith.constant 165 : i32
    return
  }
}

module attributes {stable_mosaic.version = 14 : i64} {
  func.func @_ffn_kernel(%arg0: i32, %arg1: memref<640x4224xf32, #tpu.memory_space<vmem>>, %arg2: memref<640x2xf32, #tpu.memory_space<vmem>>, %arg3: memref<4352x256xbf16, #tpu.memory_space<vmem>>, %arg4: memref<1x256xf32, #tpu.memory_space<vmem>>, %arg5: memref<256x1xbf16, #tpu.memory_space<vmem>>, %arg6: memref<640x1xf32, #tpu.memory_space<vmem>>) attributes {dimension_semantics = [#tpu.dimension_semantics<arbitrary>], iteration_bounds = array<i64: 32>, scalar_prefetch = 0 : i64, scratch_operands = 0 : i64, tpu.core_type = #tpu.core_type<tc>, window_params = [{transform_indices = @transform_0, window_bounds = array<i64: 640, 4224>}, {transform_indices = @transform_1, window_bounds = array<i64: 640, 2>}, {pipeline_mode = #tpu.pipeline_mode<synchronous>, transform_indices = @transform_2, window_bounds = array<i64: 4352, 256>}, {pipeline_mode = #tpu.pipeline_mode<synchronous>, transform_indices = @transform_3, window_bounds = array<i64: 1, 256>}, {pipeline_mode = #tpu.pipeline_mode<synchronous>, transform_indices = @transform_4, window_bounds = array<i64: 256, 1>}, {transform_indices = @transform_5, window_bounds = array<i64: 640, 1>}]} {
    %iota3A = tpu.iota {dimensions = array<i32: 1>} : vector<640x128xi32>
    %lt3A = arith.constant 64 : i32
    %lt3A_0 = vector.broadcast %lt3A : i32 to vector<640x128xi32>
    %lt3A_1 = arith.cmpi slt, %iota3A, %lt3A_0 : vector<640x128xi32>
    %get3A = arith.constant 0 : index
    %get3A_2 = arith.constant 0 : index
    %get3A_3 = vector.load %arg2[%get3A, %get3A_2] : memref<640x2xf32, #tpu.memory_space<vmem>>, vector<640x1xf32>
    %get3A_4 = arith.constant 0 : index
    %get3A_5 = arith.constant 1 : index
    %get3A_6 = vector.load %arg2[%get3A_4, %get3A_5] : memref<640x2xf32, #tpu.memory_space<vmem>>, vector<640x1xf32>
    %broadcast_in_dim3A = vector.shape_cast %get3A_3 : vector<640x1xf32> to vector<640x1xf32>
    %broadcast_in_dim3A_7 = vector.broadcast %broadcast_in_dim3A : vector<640x1xf32> to vector<640x128xf32>
    %broadcast_in_dim3A_8 = vector.shape_cast %get3A_6 : vector<640x1xf32> to vector<640x1xf32>
    %broadcast_in_dim3A_9 = vector.broadcast %broadcast_in_dim3A_8 : vector<640x1xf32> to vector<640x128xf32>
    %select_n3A = arith.select %lt3A_1, %broadcast_in_dim3A_7, %broadcast_in_dim3A_9 : vector<640x128xi1>, vector<640x128xf32>
    %convert_element_type3A = arith.truncf %select_n3A : vector<640x128xf32> to vector<640x128xbf16>
    %get3A_10 = arith.constant 0 : index
    %get3A_11 = arith.constant 0 : index
    %get3A_12 = vector.load %arg1[%get3A_10, %get3A_11] : memref<640x4224xf32, #tpu.memory_space<vmem>>, vector<640x4224xf32>
    %convert_element_type3A_13 = arith.truncf %get3A_12 : vector<640x4224xf32> to vector<640x4224xbf16>
    %concatenate3A = tpu.concatenate %convert_element_type3A, %convert_element_type3A_13 in 1 : vector<640x128xbf16>, vector<640x4224xbf16> -> vector<640x4352xbf16>
    %get3A_14 = arith.constant 0 : index
    %get3A_15 = arith.constant 0 : index
    %get3A_16 = vector.load %arg3[%get3A_14, %get3A_15] : memref<4352x256xbf16, #tpu.memory_space<vmem>>, vector<4352x256xbf16>
    %dot_general3A = arith.constant dense<0.000000e+00> : vector<640x256xf32>
    %dot_general3A_17 = tpu.matmul %concatenate3A, %get3A_16, %dot_general3A {dimension_numbers = #tpu.dot_dimension_numbers<[1], [0], [0], [1], [0, 0, 1, 1], [], []>, transpose_lhs_hint = false} : vector<640x4352xbf16>, vector<4352x256xbf16>, vector<640x256xf32> -> vector<640x256xf32>
    %get3A_18 = arith.constant 0 : index
    %get3A_19 = arith.constant 0 : index
    %get3A_20 = vector.load %arg4[%get3A_18, %get3A_19] : memref<1x256xf32, #tpu.memory_space<vmem>>, vector<1x256xf32>
    %add3A = vector.broadcast %get3A_20 : vector<1x256xf32> to vector<640x256xf32>
    %add3A_21 = arith.addf %dot_general3A_17, %add3A : vector<640x256xf32>
    %max3A = arith.constant 0.000000e+00 : f32
    %max3A_22 = vector.broadcast %max3A : f32 to vector<640x256xf32>
    %max3A_23 = arith.maximumf %add3A_21, %max3A_22 : vector<640x256xf32>
    %convert_element_type3A_24 = arith.truncf %max3A_23 : vector<640x256xf32> to vector<640x256xbf16>
    %get3A_25 = arith.constant 0 : index
    %get3A_26 = arith.constant 0 : index
    %get3A_27 = vector.load %arg5[%get3A_25, %get3A_26] : memref<256x1xbf16, #tpu.memory_space<vmem>>, vector<256x1xbf16>
    %dot_general3A_28 = arith.constant dense<0.000000e+00> : vector<640x1xf32>
    %dot_general3A_29 = tpu.matmul %convert_element_type3A_24, %get3A_27, %dot_general3A_28 {dimension_numbers = #tpu.dot_dimension_numbers<[1], [0], [0], [1], [0, 0, 1, 1], [], []>, transpose_lhs_hint = false} : vector<640x256xbf16>, vector<256x1xbf16>, vector<640x1xf32> -> vector<640x1xf32>
    %swap3A = arith.constant 0 : index
    %swap3A_30 = arith.constant 0 : index
    %swap3A_31 = vector.load %arg6[%swap3A, %swap3A_30] : memref<640x1xf32, #tpu.memory_space<vmem>>, vector<640x1xf32>
    tpu.vector_store %arg6[%swap3A, %swap3A_30], %dot_general3A_29 {strides = array<i32>} : memref<640x1xf32, #tpu.memory_space<vmem>>, vector<640x1xf32>,
    return
  }
  func.func @transform_0(%arg0: i32) -> (i32, i32) {
    %c0_i32 = arith.constant 0 : i32
    %c0_i32_0 = arith.constant 0 : i32
    return %arg0, %c0_i32 : i32, i32
  }
  func.func @transform_1(%arg0: i32) -> (i32, i32) {
    %c0_i32 = arith.constant 0 : i32
    %c0_i32_0 = arith.constant 0 : i32
    return %arg0, %c0_i32 : i32, i32
  }
  func.func @transform_2(%arg0: i32) -> (i32, i32) {
    %c0_i32 = arith.constant 0 : i32
    %c0_i32_0 = arith.constant 0 : i32
    %c0_i32_1 = arith.constant 0 : i32
    return %c0_i32, %c0_i32_0 : i32, i32
  }
  func.func @transform_3(%arg0: i32) -> (i32, i32) {
    %c0_i32 = arith.constant 0 : i32
    %c0_i32_0 = arith.constant 0 : i32
    %c0_i32_1 = arith.constant 0 : i32
    return %c0_i32, %c0_i32_0 : i32, i32
  }
  func.func @transform_4(%arg0: i32) -> (i32, i32) {
    %c0_i32 = arith.constant 0 : i32
    %c0_i32_0 = arith.constant 0 : i32
    %c0_i32_1 = arith.constant 0 : i32
    return %c0_i32, %c0_i32_0 : i32, i32
  }
  func.func @transform_5(%arg0: i32) -> (i32, i32) {
    %c0_i32 = arith.constant 0 : i32
    %c0_i32_0 = arith.constant 0 : i32
    return %arg0, %c0_i32 : i32, i32
  }
}

module attributes {stable_mosaic.version = 14 : i64} {
  func.func @_softmax_kernel(%arg0: memref<1024x20xf32, #tpu.memory_space<vmem>>, %arg1: memref<1024x20xf32, #tpu.memory_space<vmem>>) attributes {dimension_semantics = [], scalar_prefetch = 0 : i64, scratch_operands = 0 : i64, tpu.core_type = #tpu.core_type<tc>} {
    %get3A = arith.constant 0 : index
    %get3A_0 = arith.constant 0 : index
    %get3A_1 = vector.load %arg0[%get3A, %get3A_0] : memref<1024x20xf32, #tpu.memory_space<vmem>>, vector<1024x20xf32>
    %reduce_max3A = arith.constant dense<0xFF800000> : vector<1024xf32>
    %reduce_max3A_2 = vector.multi_reduction <maximumf>, %get3A_1, %reduce_max3A [1] : vector<1024x20xf32> to vector<1024xf32>
    %broadcast_in_dim3A = vector.shape_cast %reduce_max3A_2 : vector<1024xf32> to vector<1024x1xf32>
    %sub3A = vector.broadcast %broadcast_in_dim3A : vector<1024x1xf32> to vector<1024x20xf32>
    %sub3A_3 = arith.subf %get3A_1, %sub3A : vector<1024x20xf32>
    %exp3A = math.exp %sub3A_3 : vector<1024x20xf32>
    %reduce_sum3A = arith.constant dense<0.000000e+00> : vector<1024xf32>
    %reduce_sum3A_4 = vector.multi_reduction <add>, %exp3A, %reduce_sum3A [1] : vector<1024x20xf32> to vector<1024xf32>
    %broadcast_in_dim3A_5 = vector.shape_cast %reduce_sum3A_4 : vector<1024xf32> to vector<1024x1xf32>
    %div3A = vector.broadcast %broadcast_in_dim3A_5 : vector<1024x1xf32> to vector<1024x20xf32>
    %div3A_6 = arith.divf %exp3A, %div3A : vector<1024x20xf32>
    %swap3A = arith.constant 0 : index
    %swap3A_7 = arith.constant 0 : index
    %swap3A_8 = vector.load %arg1[%swap3A, %swap3A_7] : memref<1024x20xf32, #tpu.memory_space<vmem>>, vector<1024x20xf32>
    tpu.vector_store %arg1[%swap3A, %swap3A_7], %div3A_6 {strides = array<i32>} : memref<1024x20xf32, #tpu.memory_space<vmem>>, vector<1024x20xf32>,
    return
  }
}

</mosaic_0001>

<sc_bundles>
// kernel: kernel.5.cloned.1.call-start
scs
__scs_entry_jumppad:
0x0: {  	(pc) =	sbr.rel $0x88, $3  }
0x1: {  	(tag) =	ssettag $0x0;
	lr =	simm.s32 $0x1  }
0x2: {  	[smem:$0x3F9C] =	sst lr;
	_ =	strace $0xD0000000  }
0x3: {  	_ = 	snop  }
0x4: {  	_ = 	snop  }
0x5: {  	_ = 	snop  }
0x6: {  	_ = 	snop  }
0x7: {  	_ = 	snop  }
__scs_overlays_trampoline_lowered:
0x8: {  	[smem:$0x3FAB] =	sst s0  }
0x9: {  	[smem:$0x3FAC] =	sst s1  }
0xa: {  	[smem:$0x3FAD] =	sst s2  }
0xb: {  	[smem:$0x3FAE] =	sst s3  }
0xc: {  	[smem:$0x3FAF] =	sst s4  }
0xd: {  	[smem:$0x3FB0] =	sst s5  }
0xe: {  	[smem:$0x3FB1] =	sst s6  }
0xf: {  	[smem:$0x3FB2] =	sst s7  }
0x10: {  	[smem:$0x3FB3] =	sst s8  }
0x11: {  	[smem:$0x3FB4] =	sst s9;
	s0 =	simm.s32 @!p0 $0x0  }
0x12: {  	s1 =	sld [smem:$0x3F9A];
	s0 =	simm.s32 @p0 $0x1  }
0x13: {  	[smem:$0x3FB5] =	sst s0;
	s0 =	simm.s32 @!p1 $0x0  }
0x14: {  	s2 =	sld [smem:$0x3F99];
	s0 =	simm.s32 @p1 $0x1  }
0x15: {  	[smem:$0x3FB6] =	sst s0;
	s0 =	simm.s32 @!p2 $0x0  }
0x16: {  	s3 =	sld [smem:$0x3FDB];
	s0 =	simm.s32 @p2 $0x1  }
0x17: {  	s4 =	simm.s32 $0x1BF5;
	[smem:$0x3FB8] =	sst s0  }
0x18: {  	s0 =	sld [smem:$0x3F9B];
	_ =	swait.ge [sflag:s4], $0x0  }
0x19: {  	s7 =	sld [smem:$0x3F9C]  }
0x1a: {  	s8 =	sadd.s32 $0xFFFFE003, lr  }
0x1b: {  	s9 =	sadd.s32 $0xFFFFFEF7, lr;
	s5 =	simm.s32 $0xFFFFFFFF;
	p2 =	slt.u32 s8, $0xFFFFF086  }
0x1c: {  	p1 =	slt.u32 s9, $0xF7A;
	s5 =	simm.s32 @!p2 $0x0  }
0x1d: {  	s5 =	simm.s32 @p1 $0x1;
	p0 =	seq.s32 s7, s2  }
0x1e: {  	s7 =	smul.u32 @!p0 $0xF7A, s2;
	p2 =	seq.s32 @!p0 s5, $0x0  }
0x1f: {  	s9 =	smul.u32 $0xF7A, s1;
	s8 =	simm.s32 @!p0 $0x1BF5;
	p2 =	por !p2, p0  }
0x20: {  	[sflag:s8] =	ssyncset.s32 @!p0 $0xFFFFF086;
	s6 =	sadd.s32 @!p0 s3, s7;
	s7 =	simm.s32 @!p0 $0x108  }
0x21: {  	s3 =	sadd.s32 s3, s9;
	s6 =	sadd.s32 @!p0 $0x88, s6;
	s7 =	simm.s32 @p2 $0x1082  }
0x22: {  	[simem:s7], [sflag:s8] =	dma.local @!p0 [hbm:s6], $0xF7A  }
0x23: {  	s9 =	sor.u32 $0xD0000000, s2;
	s6 =	simm.s32 $0x108;
	_ =	swait.ge @!p0 [sflag:s8], $0x0  }
0x24: {  	s3 =	sadd.s32 $0x88, s3;
	s6 =	simm.s32 @!p1 $0x1082;
	[sflag:s4] =	ssyncset.s32 $0xFFFFF086  }
0x25: {  	[simem:s6], [sflag:s4] =	dma.local [hbm:s3], $0xF7A  }
0x26: {  	[smem:$0x3F9C] =	sst s1;
	(tag) =	ssettag s2;
	_ =	strace s9  }
0x27: {  	s1 =	sld [smem:$0x3FAC]  }
0x28: {  	s2 =	sld [smem:$0x3FAD]  }
0x29: {  	s4 =	sld [smem:$0x3FAF]  }
0x2a: {  	p0 =	seq.s32 s5, $0x0;
	s5 =	sld [smem:$0x3FB0]  }
0x2b: {  	s6 =	sld [smem:$0x3FB1]  }
0x2c: {  	s7 =	sld [smem:$0x3FB2]  }
0x2d: {  	s3 =	simm.s32 $0x108;
	s8 =	sld [smem:$0x3FB3]  }
0x2e: {  	s3 =	simm.s32 @!p0 $0x1082;
	s9 =	sld [smem:$0x3FB4]  }
0x2f: {  	lr =	sadd.s32 s0, s3;
	s0 =	sld [smem:$0x3FAB]  }
0x30: {  	s3 =	sld [smem:$0x3FAE]  }
0x31: {  	[smem:$0x3FB7] =	sst s10  }
0x32: {  	s10 =	sld [smem:$0x3FB5];
	_ =	sdelay $0x3  }
0x33: {  	p0 =	seq.s32 s10, $0x1;
	s10 =	sld [smem:$0x3FB7];
	_ =	sdelay $0x3  }
0x34: {  	[smem:$0x3FB7] =	sst s10  }
0x35: {  	s10 =	sld [smem:$0x3FB6];
	_ =	sdelay $0x3  }
0x36: {  	p1 =	seq.s32 s10, $0x1;
	s10 =	sld [smem:$0x3FB7];
	_ =	sdelay $0x3  }
0x37: {  	[smem:$0x3FB7] =	sst s10  }
0x38: {  	s10 =	sld [smem:$0x3FB8]  }
0x39: {  	_ = 	snop;
	(pc) =	sbr.ind lr, $3  }
0x3a: {  	_ = 	snop  }
0x3b: {  	_ = 	snop  }
0x3c: {  	p2 =	seq.s32 s10, $0x1;
	s10 =	sld [smem:$0x3FB7]  }
0x3d: {  	_ =	shalt  }
0x3e: {  	_ =	shalt  }
0x3f: {  	_ =	shalt  }
0x40: {  	_ =	shalt  }
0x41: {  	_ =	shalt  }
0x42: {  	_ =	shalt  }
0x43: {  	_ =	shalt  }
0x44: {  	_ =	shalt  }
0x45: {  	_ =	shalt  }
0x46: {  	_ =	shalt  }
0x47: {  	_ =	shalt  }
0x48: {  	_ =	shalt  }
0x49: {  	_ =	shalt  }
0x4a: {  	_ =	shalt  }
0x4b: {  	_ =	shalt  }
0x4c: {  	_ =	shalt  }
0x4d: {  	_ =	shalt  }
0x4e: {  	_ =	shalt  }
0x4f: {  	_ =	shalt  }
0x50: {  	_ =	shalt  }
0x51: {  	_ =	shalt  }
0x52: {  	_ =	shalt  }
0x53: {  	_ =	shalt  }
0x54: {  	_ =	shalt  }
0x55: {  	_ =	shalt  }
0x56: {  	_ =	shalt  }
0x57: {  	_ =	shalt  }
0x58: {  	_ =	shalt  }
0x59: {  	_ =	shalt  }
0x5a: {  	_ =	shalt  }
0x5b: {  	_ =	shalt  }
0x5c: {  	_ =	shalt  }
0x5d: {  	_ =	shalt  }
0x5e: {  	_ =	shalt  }
0x5f: {  	_ =	shalt  }
0x60: {  	_ =	shalt  }
0x61: {  	_ =	shalt  }
0x62: {  	_ =	shalt  }
0x63: {  	_ =	shalt  }
0x64: {  	_ =	shalt  }
0x65: {  	_ =	shalt  }
0x66: {  	_ =	shalt  }
0x67: {  	_ =	shalt  }
0x68: {  	_ =	shalt  }
0x69: {  	_ =	shalt  }
0x6a: {  	_ =	shalt  }
0x6b: {  	_ =	shalt  }
0x6c: {  	_ =	shalt  }
0x6d: {  	_ =	shalt  }
0x6e: {  	_ =	shalt  }
0x6f: {  	_ =	shalt  }
0x70: {  	_ =	shalt  }
0x71: {  	_ =	shalt  }
0x72: {  	_ =	shalt  }
0x73: {  	_ =	shalt  }
0x74: {  	_ =	shalt  }
0x75: {  	_ =	shalt  }
0x76: {  	_ =	shalt  }
0x77: {  	_ =	shalt  }
0x78: {  	_ =	shalt  }
0x79: {  	_ =	shalt  }
0x7a: {  	_ =	shalt  }
0x7b: {  	_ =	shalt  }
0x7c: {  	_ =	shalt  }
0x7d: {  	_ =	shalt  }
0x7e: {  	_ =	shalt  }
0x7f: {  	_ =	shalt  }
0x80: {  	_ =	shalt  }
0x81: {  	_ =	shalt  }
0x82: {  	_ =	shalt  }
0x83: {  	_ =	shalt  }
0x84: {  	_ =	shalt  }
0x85: {  	_ =	shalt  }
0x86: {  	_ =	shalt  }
0x87: {  	_ =	shalt  }
.Lfunc_end0:
.L_simem_size_0:
called_computation_lowered:
.L_overlay_start_0:
0x88: {  	s2 =	sld [smem:$0x3FD9]  }
0x89: {  	s3 =	sld [smem:$0x3FFE];
	_ =	sdelay $0x1  }
0x8a: {  	s1 =	srdreg.scid  }
0x8b: {  	s0 =	sand.u32 $0x1, s1  }
0x8c: {  	s16 =	sshll.u32 s0, $0xA;
	s2 =	sadd.s32 s3, s2  }
0x8d: {  	s2 =	sadd.s32 s2, s16  }
0x8e: {  	[smem:$0x3FC3] =	sst s2  }
0x8f: {  	_ = 	snop  }
0x90: {  	(tm) =	ssettm $0x1  }
0x91: {  	s17 =	sld [smem:$0x3FFB];
	_ =	sdelay $0x3  }
0x92: {  	_ =	strace s17  }
0x93: {  	s2 =	sld [smem:$0x3FFC];
	_ =	sdelay $0x3  }
0x94: {  	_ =	strace s2  }
0x95: {  	s2 =	sld [smem:$0x3FFD];
	_ =	sdelay $0x3  }
0x96: {  	_ =	strace s2  }
0x97: {  	_ =	strace $0x8FFFFFFF  }
0x98: {  	s18 =	sld [smem:$0x3FDB];
	_ =	sdelay $0x1  }
0x99: {  	s19 =	simm.s32 $_scs_section_size  }
0x9a: {  	s4 =	simm.s32 $_size__tile_overlayer_lowered;
	s5 =	simm.s32 $_tile_overlayer_lowered  }
0x9b: {  	s22 =	simm.s32 $0x1BFF;
	s21 =	sshll.u32 s5, $0x1;
	s2 =	sadd.s32 s19, s18  }
0x9c: {  	s6 =	simm.s32 $0x0;
	s20 =	sshll.u32 s4, $0x1;
	s4 =	sadd.s32 s21, s2  }
0x9d: {  	[timem:s6], [sflag:s22] =	dma.local [hbm:s4], s20  }
0x9e: {  	_ =	swait.ge [sflag:s22], s20  }
0x9f: {  	s3 =	ssub.s32 $0x0, s20;
	[sflag:s22] =	ssyncset.done $0x0  }
0xa0: {  	[sflag:s22] =	ssyncadd.s32 s3;
	_ =	sdelay $0x1  }
0xa1: {  	s23 =	simm.s32 $0x1B8B  }
0xa2: {  	_ =	swait.ge [sflag:s23], $0x1  }
0xa3: {  	[sflag:s23] =	ssyncset.done $0x0  }
0xa4: {  	s25 =	simm.s32 $0x1B8E;
	s24 =	sld [smem:$0x3FFE];
	[sflag:s23] =	ssyncadd.s32 $0xFFFFFFFF  }
0xa5: {  	s26 =	simm.s32 $execute0_lowered;
	[smem:$0x3FD2] =	sst s25  }
0xa6: {  	s4 =	sshll.u32 s26, $0x1;
	_ =	strace $0x80000046;
	[dreg:$0x1] =	wrdreg $0xFFFFFFFF  }
0xa7: {  	s28 =	simm.s32 $_size_execute0_lowered;
	s2 =	sadd.s32 s2, s4;
	[dreg:$0x0] =	wrdreg $0x0  }
0xa8: {  	s4 =	sshll.u32 s28, $0x1;
	[dreg:$0x2] =	wrdreg s2  }
0xa9: {  	[dreg:$0x3] =	wrdreg s4  }
0xaa: {  	[dreg:$0x4] =	wrdreg $0xC0  }
0xab: {  	_ =	task [dreg:s6], $0x5FFFF  }
0xac: {  	[dreg:$0x1] =	wrdreg $0xFFFFFFFF  }
0xad: {  	[dreg:$0x0] =	wrdreg $0x60  }
0xae: {  	[dreg:$0x2] =	wrdreg s24  }
0xaf: {  	[dreg:$0x3] =	wrdreg $0x9  }
0xb0: {  	_ =	task.clear_ibuf [dreg:s6], $0x4FFFF;
	_ =	strace $0x90000046  }
0xb1: {  	s29 =	simm.s32 $0x9;
	_ =	strace $0x80000048  }
0xb2: {  	_ =	swait.ge [sflag:s29], $0x1  }
0xb3: {  	[sflag:s29] =	ssyncadd.s32 $0xFFFFFFFF  }
0xb4: {  	_ =	strace $0x90000048  }
0xb5: {  	_ =	sfence  }
0xb6: {  	s30 =	sld [smem:$0x0];
	_ =	sdelay $0x2  }
0xb7: {  	s31 =	sshll.u32 s1, $0xD;
	s1 =	sshrl.u32 s1, $0x2  }
0xb8: {  	s3 =	sand.u32 $0x4000, s31;
	s1 =	sadd.s32 s1, s30  }
0xb9: {  	s0 =	sor.u32 s3, s0;
	s1 =	sshll.u32 s1, $0x11  }
0xba: {  	s0 =	sor.u32 s1, s0  }
0xbb: {  	s0 =	sadd.s32 $0x8F2B, s0  }
0xbc: {  	[sflag:s0] =	ssyncadd.remote.s32 $0x1  }
0xbd: {  	_ =	sfence.sel $0xFFFF  }
0xbe: {  	[dreg:$0x0] =	wrdreg $0xFFFFFFFF;
	(pc) =	sbr.abs _section_cstart, $3  }
0xbf: {  	[dreg:$0x1] =	wrdreg $0xFFFFFFFF  }
0xc0: {  	_ =	task.clear_ibuf [dreg:s6], $0x2FFFF;
	_ =	strace $0x9FFFFFFF  }
0xc1: {  	(tm) =	ssettm $0x7FFFFFFF  }
tec
execute0_lowered:
.L_overlay_start_1:
0x0: {  	(tag) =	ssettag $0x1  }
0x1: {  	s4 =	rddreg [dreg:$0x0]  }
0x2: {  	s0 =	rddreg [dreg:$0x1]  }
0x3: {  	s2 =	simm.s32 $0x0;
	s3 =	srdreg.scid;
	s1 =	stileid.u32  }
0x4: {  	s9 =	simm.s32 $0x5280;
	s10 =	simm.s32 $0x1;
	s11 =	simm.s32 $0x0  }
0x5: {  	s3 =	sand.u32 $0x1, s3;
	s5 =	sshll.u32 s1, $0x1;
	s6 =	smul.u32 $0x528000, s1  }
0x6: {  	[smem:$0x7FF] =	sst s2;
	s5 =	sor.u32 s3, s5;
	s7 =	smul.u32 $0x294000, s3  }
0x7: {  	_ =	strace $0x80000047;
	s8 =	ssub.s32 $0x2, s3;
	s5 =	smul.u32 $0xA50, s5  }
0x8: {  	s3 =	sadd.s32 $0x1200, s4;
	s31 =	sshrl.u32 s8, $0x1;
	s6 =	sadd.s32 s7, s6  }
0x9: {  	s7 =	ssub.s32 s8, s31;
	s5 =	sadd.s32 s5, s4;
	s6 =	sshrl.u32 s6, $0x3  }
0xa: {  	s8 =	simm.s32 $0x80;
	s6 =	sadd.s32 s6, s4;
	s4 =	sadd.s32 $0xE200, s5  }
0xb: {  	s5 =	smax.u32 s7, $0x1;
	s7 =	simm.s32 $0x2;
	s6 =	sadd.s32 $0x22C00, s6  }
.LBB2_1:
0xc: {  	[tilespmem:s2], [sflag:$0x2] =	stream.linear.gather [hbm4b:s4+s2], $0x5280, $0x38;
	[tilespmem:$0x9280] =	vst v63  }
0xd: {  	_ =	swait.ge [sflag:s7], $0x5280  }
0xe: {  	[sflag:s7] =	ssyncset.done $0x0  }
0xf: {  	s12 =	simm.s32 $0x0;
	[sflag:s7] =	ssyncadd.s32 $0xFFFFAD80  }
0x10: {  	[tilespmem:s9], [sflag:$0x1] =	stream.indirect.gather [hbm4b:s3+s8], $0x80, s12, s8, $0xb8;
	[tilespmem:$0x9280] =	vst v63  }
0x11: {  	_ =	swait.ge [sflag:s10], $0x4000  }
0x12: {  	[sflag:s10] =	ssyncset.done $0x0  }
0x13: {  	[sflag:s10] =	ssyncadd.s32 $0xFFFFC000  }
0x14: {  	[hbm4b:s6+s2] =	stream.linear.scatter [tilespmem:s9], [sflag:$0x2], $0x4000, $0x38;
	[tilespmem:$0x9280] =	vst v63  }
0x15: {  	s13 =	simm.s32 $0x200;
	_ =	swait.ge [sflag:s7], $0x4000  }
0x16: {  	s14 =	simm.s32 $0x400;
	s12 =	sadd.s32 $0x800, s6;
	[sflag:s7] =	ssyncset.done $0x0  }
.LBB2_2:
0x17: {  	s15 =	sshra.s32 s13, $0x2  }
0x18: {  	[sflag:s7] =	ssyncadd.s32 $0xFFFFC000;
	s13 =	smov.u32 s14;
	s16 =	sadd.s32 $0x200, s14  }
0x19: {  	[tilespmem:s9], [sflag:$0x1] =	stream.indirect.gather [hbm4b:s3+s8], $0x80, s15, s8, $0xb8;
	[tilespmem:$0x9280] =	vst v63  }
0x1a: {  	p0 =	sne.s32 s14, $0x14800;
	_ =	swait.ge [sflag:s10], $0x4000  }
.Ltmp0:
0x1b: {  	[sflag:s10] =	ssyncset.done $0x0;
	(pc) =	sbr.rel @p0 .LBB2_2-.Ltmp0, $4  }
0x1c: {  	[sflag:s10] =	ssyncadd.s32 $0xFFFFC000  }
0x1d: {  	[hbm4b:s12+s2] =	stream.linear.scatter [tilespmem:s9], [sflag:$0x2], $0x4000, $0x38;
	[tilespmem:$0x9280] =	vst v63  }
0x1e: {  	_ =	swait.ge [sflag:s7], $0x4000  }
0x1f: {  	s14 =	smov.u32 s16;
	s12 =	sadd.s32 $0x800, s12;
	[sflag:s7] =	ssyncset.done $0x0  }
0x20: {  	s13 =	sshra.s32 s13, $0x2;
	[sflag:s7] =	ssyncadd.s32 $0xFFFFC000  }
0x21: {  	[tilespmem:s9], [sflag:$0x1] =	stream.indirect.gather [hbm4b:s3+s8], $0x80, s13, s8, $0xb8;
	[tilespmem:$0x9280] =	vst v63  }
0x22: {  	s11 =	sadd.s32 $0x1, s11;
	_ =	swait.ge [sflag:s10], $0x4000  }
0x23: {  	p0 =	sne.s32 s11, s5;
	[sflag:s10] =	ssyncset.done $0x0  }
.Ltmp1:
0x24: {  	[sflag:s10] =	ssyncadd.s32 $0xFFFFC000;
	(pc) =	sbr.rel @p0 .LBB2_1-.Ltmp1, $4  }
0x25: {  	[hbm4b:s12+s2] =	stream.linear.scatter [tilespmem:s9], [sflag:$0x2], $0x4000, $0x38;
	[tilespmem:$0x9280] =	vst v63  }
0x26: {  	_ =	swait.ge [sflag:s7], $0x4000  }
0x27: {  	[sflag:s7] =	ssyncset.done $0x0  }
0x28: {  	[sflag:s7] =	ssyncadd.s32 $0xFFFFC000  }
0x29: {  	_ =	sfence.sel $0x180000  }
0x2a: {  	[bflag:$0x0] =	sbarrier.arrive $0xFFFF  }
0x2b: {  	p0 =	sne.s32 s1, $0x0;
	_ =	strace $0x90000047  }
0x2c: {  	s0 =	sadd.s32 @!p0 $0x100000, s0;
	[bflag:$0x2] =	sbarrier.arrive $0xFFFF  }
0x2d: {  	[sflag:s0] =	ssyncadd.tile.s32 @!p0 $0x1;
	_ =	shalt  }
.Lfunc_end2:
_tile_overlayer_lowered:
.L_overlay_start_2:
0x2e: {  	(tag) =	ssettag $0x2  }
0x2f: {  	s0 =	rddreg [dreg:$0x0];
	s2 =	stileid.u32  }
0x30: {  	s1 =	rddreg [dreg:$0x1];
	p0 =	sne.s32 s2, $0x0  }
0x31: {  	s3 =	rddreg [dreg:$0x2];
	[bflag:$0x3] =	sbarrier.arrive $0xFFFF;
	s2 =	simm.s32 @!p0 $0x1C02  }
0x32: {  	[timem:s3], [sflag:s2] =	dma.local @!p0 [hbm:s0], s1  }
0x33: {  	s0 =	simm.s32 @!p0 $0x2  }
0x34: {  	_ =	swait.ge @!p0 [sflag:s0], s1  }
0x35: {  	s1 =	ssub.s32 @!p0 $0x0, s1;
	[sflag:s0] =	ssyncset.done @!p0 $0x0  }
0x36: {  	[sflag:s0] =	ssyncadd.s32 @!p0 s1  }
0x37: {  	[bflag:$0x3] =	sbarrier.arrive $0xFFFF  }
0x38: {  	_ =	shalt  }

</sc_bundles>
